<compile_context>
chip_gen: v7x
topology: tpu7x:2x2x1
jax: 0.10.2.dev20260603
libtpu: 0.0.44.dev20260713+nightly
codegen_flags: <defaults>
</compile_context>

<pallas_src>
import functools

import jax
import jax.numpy as jnp
from jax import lax
from jax.experimental import pallas as pl
from jax.experimental.pallas import tpu as pltpu
from jax.experimental.pallas import tpu_sc as plsc

B, N, D = 16, 1024, 32
K = 8192
NTOK = B * N
BLK = 1024
CK = 2048
HALF = K // 2
GRID = NTOK // BLK


def _bf16_round_f32(v):
    b = lax.bitcast_convert_type(v, jnp.int32)
    rb = (b + jnp.int32(0x7FFF) + ((b >> 16) & jnp.int32(1))) & jnp.int32(-65536)
    return lax.bitcast_convert_type(rb, jnp.float32)


def _argmin_body(x_ref, xb_ref, e_ref, eb_ref, idx_ref, lp_ref):
    x = x_ref[...]
    xb = xb_ref[...]
    x2 = jnp.sum(x * x, axis=1)
    iot = lax.broadcasted_iota(jnp.int32, (BLK, CK), 1).astype(jnp.float32)

    def scan_half(h):
        bv = jnp.full((BLK,), jnp.inf, jnp.float32)
        bi = jnp.zeros((BLK,), jnp.int32)
        for c in range(HALF // CK):
            kb = h * (HALF // CK) + c
            ch = e_ref[pl.ds(kb * CK, CK), :]
            cb = eb_ref[pl.ds(kb * CK, CK), :]
            e2 = jnp.sum(ch * ch, axis=1)
            s = lax.dot_general(xb, cb, (((1,), (1,)), ((), ())),
                                preferred_element_type=jnp.float32)
            u = (x2[:, None] - s) + e2[None, :]
            m = jnp.min(u, axis=1)
            candf = jnp.min(jnp.where(u == m[:, None], iot,
                                      jnp.float32(2**24)), axis=1)
            cand = candf.astype(jnp.int32) + kb * CK
            upd = m < bv
            bv = jnp.where(upd, m, bv)
            bi = jnp.where(upd, cand, bi)
        return bv, bi

    bv0, bi0 = scan_half(0)
    bv1, bi1 = scan_half(1)
    take1 = bv1 < _bf16_round_f32(bv0)
    bi = jnp.where(take1, bi1, bi0)
    bv = jnp.where(take1, bv1, bv0)

    idx_ref[0, 0, :] = bi
    lp = jnp.sum(bv)
    lp_ref[0, 0, :] = jnp.full((128,), lp, jnp.float32)


def _argmin_tc(xf, xb, e, eb):
    return pl.pallas_call(
        _argmin_body,
        grid=(GRID,),
        in_specs=[
            pl.BlockSpec((BLK, D), lambda i: (i, 0)),
            pl.BlockSpec((BLK, D), lambda i: (i, 0)),
            pl.BlockSpec((K, D), lambda i: (0, 0)),
            pl.BlockSpec((K, D), lambda i: (0, 0)),
        ],
        out_specs=[
            pl.BlockSpec((1, 1, BLK), lambda i: (i, 0, 0)),
            pl.BlockSpec((1, 1, 128), lambda i: (i, 0, 0)),
        ],
        out_shape=[
            jax.ShapeDtypeStruct((GRID, 1, BLK), jnp.int32),
            jax.ShapeDtypeStruct((GRID, 1, 128), jnp.float32),
        ],
        compiler_params=pltpu.CompilerParams(
            dimension_semantics=("arbitrary",)),
    )(xf, xb, e, eb)


def _gather_sc(e, idx):
    info = plsc.get_sparse_core_info()
    nw = info.num_cores * info.num_subcores
    rows = NTOK // nw
    mesh = plsc.VectorSubcoreMesh(core_axis_name="c", subcore_axis_name="s")

    @functools.partial(
        pl.kernel,
        mesh=mesh,
        out_type=jax.ShapeDtypeStruct((NTOK, D), jnp.float32),
        scratch_types=[
            pltpu.VMEM((rows,), jnp.int32),
            pltpu.VMEM((rows, D), jnp.float32),
            pltpu.SemaphoreType.DMA,
        ],
        compiler_params=pltpu.CompilerParams(use_tc_tiling_on_sc=False),
    )
    def gather_kernel(table_hbm, idx_hbm, out_hbm, idx_v, rows_v, sem):
        wid = lax.axis_index("s") * info.num_cores + lax.axis_index("c")
        base = wid * rows
        pltpu.sync_copy(idx_hbm.at[pl.ds(base, rows)], idx_v)
        pltpu.async_copy(table_hbm.at[idx_v], rows_v, sem).wait()
        pltpu.sync_copy(rows_v, out_hbm.at[pl.ds(base, rows)])

    return gather_kernel(e, idx)


def kernel(x, embed):
    e = embed[0]
    xf = x.reshape(NTOK, D)
    xb = (xf + xf).astype(jnp.bfloat16)
    eb = e.astype(jnp.bfloat16)
    idx3, lp = _argmin_tc(xf, xb, e, eb)
    idx = idx3.reshape(NTOK)
    q = _gather_sc(e, idx)
    quantize_st = q.reshape(B, N, D)
    indices = idx.reshape(B, N)
    commit_loss = jnp.sum(lp[:, 0, 0]) / jnp.float32(NTOK * D)
    return quantize_st, indices, commit_loss

# --- scband reference (transcript-rebuilt; emitter-appended) ---
"""Pipeline reference for scband-vector-quantize-44856638440089 (READ-ONLY COPY).

The authoritative reference and input builder live on the scoring server;
editing this copy changes nothing except your own understanding.
"""

import jax, jax.numpy as jnp
import numpy as np

B, N, D = 16, 1024, 32
H, K = 1, 8192

def setup_inputs(seed: int = 0) -> dict:
    key = jax.random.key(seed)
    k1, k2 = jax.random.split(key)
    x = jax.random.normal(k1, (B, N, D), dtype=jnp.float32)
    # kaiming-uniform style init for the codebook parameter [num_codebooks, K, D]
    bound = float(np.sqrt(6.0 / D))
    embed = jax.random.uniform(k2, (H, K, D), dtype=jnp.float32, minval=-bound, maxval=bound)
    return {"x": x, "embed": embed}

def reference(x, embed):
    # EuclideanCodebook forward: flatten tokens, compute negative squared L2 distances
    flatten = x.reshape(H, -1, D)                     # [h, n, d]
    e = embed                                          # [h, K, d]
    dist = -(jnp.sum(flatten ** 2, axis=-1, keepdims=True)
             - 2.0 * jnp.einsum('hnd,hkd->hnk', flatten, e)
             + jnp.sum(e ** 2, axis=-1)[:, None, :])   # [h, n, K]
    embed_ind = jnp.argmax(dist, axis=-1)              # [h, n]
    # gather quantized vectors from codebook (SparseCore-style gather)
    quantize = jnp.take(e[0], embed_ind[0], axis=0).reshape(x.shape)
    # commitment loss (codebook detached, EMA-updated)
    commit_loss = jnp.mean((jax.lax.stop_gradient(quantize) - x) ** 2)
    # straight-through estimator
    quantize_st = x + jax.lax.stop_gradient(quantize - x)
    indices = embed_ind[0].reshape(x.shape[:-1])       # [B, N]
    return quantize_st, indices, commit_loss

if __name__ == "__main__":
    import jax
    _d = setup_inputs()
    print(jax.jit(kernel)(*tuple(_d.values())))

</pallas_src>

<mosaic_0001>
#map = affine_map<(d0, d1) -> (0, 0)>
#map1 = affine_map<(d0, d1) -> (0)>
module attributes {stable_mosaic.version = 14 : i64} {
  func.func @gather_kernel(%arg0: i32, %arg1: i32, %arg2: memref<8192x32xf32, #tpu.memory_space<hbm>>, %arg3: memref<16384xi32, #tpu.memory_space<hbm>>, %arg4: memref<16384x32xf32, #tpu.memory_space<hbm>>, %arg5: memref<512xi32, #tpu.memory_space<vmem>>, %arg6: memref<512x32xf32, #tpu.memory_space<vmem>>, %arg7: memref<!tpu.dma_semaphore, #tpu.memory_space<semaphore_mem>>) attributes {dimension_semantics = [#tpu.dimension_semantics<core_parallel>, #tpu.dimension_semantics<subcore_parallel>], iteration_bounds = array<i64: 2, 16>, scalar_prefetch = 0 : i64, scratch_operands = 3 : i64, tpu.core_type = #tpu.core_type<sc_vector_subcore>, window_params = [{transform_indices = #map}, {transform_indices = #map1}, {transform_indices = #map}]} {
    %mul3A = arith.constant 2 : i32
    %mul3A_0 = arith.muli %arg1, %mul3A : i32
    %add3A = arith.addi %mul3A_0, %arg0 : i32
    %mul3A_1 = arith.constant 512 : i32
    %mul3A_2 = arith.muli %add3A, %mul3A_1 : i32
    "tpu.region"() ({
      %run_scoped3A = tpu.sem_alloc : memref<!tpu.dma_semaphore, #tpu.memory_space<semaphore_mem>>
      %dma_start3A_7 = tpu.memref_slice %arg3[%mul3A_2] : memref<16384xi32, #tpu.memory_space<hbm>> -> memref<512xi32, #tpu.memory_space<hbm>>
      %dma_start3A_8 = tpu.memref_slice %arg3[%mul3A_2] : memref<16384xi32, #tpu.memory_space<hbm>> -> memref<512xi32, #tpu.memory_space<hbm>>
      tpu.enqueue_dma source(%dma_start3A_8 : memref<512xi32, #tpu.memory_space<hbm>>) target(%arg5 : memref<512xi32, #tpu.memory_space<vmem>>) target_semaphore(%run_scoped3A : memref<!tpu.dma_semaphore, #tpu.memory_space<semaphore_mem>>)
      %dma_wait3A_9 = tpu.memref_slice %arg3[%mul3A_2] : memref<16384xi32, #tpu.memory_space<hbm>> -> memref<512xi32, #tpu.memory_space<hbm>>
      %dma_wait3A_10 = tpu.memref_slice %arg3[%mul3A_2] : memref<16384xi32, #tpu.memory_space<hbm>> -> memref<512xi32, #tpu.memory_space<hbm>>
      tpu.wait_dma2 semaphore(%run_scoped3A : memref<!tpu.dma_semaphore, #tpu.memory_space<semaphore_mem>>) src(%dma_wait3A_10 : memref<512xi32, #tpu.memory_space<hbm>>) dst(%arg5 : memref<512xi32, #tpu.memory_space<vmem>>)
      tpu.yield
    }) : () -> ()
    %dma_start3A = arith.constant 0 : i32
    %dma_start3A_3 = arith.constant 0 : i32
    %dma_start3A_4 = tpu.memref_slice %arg2[%dma_start3A, %dma_start3A_3] : memref<8192x32xf32, #tpu.memory_space<hbm>> -> memref<8192x32xf32, #tpu.memory_space<hbm>>
    tpu.enqueue_indirect_dma source(%dma_start3A_4 : memref<8192x32xf32, #tpu.memory_space<hbm>>) target(%arg6 : memref<512x32xf32, #tpu.memory_space<vmem>>) offsets(%arg5 : memref<512xi32, #tpu.memory_space<vmem>>) semaphore(%arg7 : memref<!tpu.dma_semaphore, #tpu.memory_space<semaphore_mem>>)
    %dma_wait3A = arith.constant 0 : i32
    %dma_wait3A_5 = arith.constant 0 : i32
    %dma_wait3A_6 = tpu.memref_slice %arg2[%dma_wait3A, %dma_wait3A_5] : memref<8192x32xf32, #tpu.memory_space<hbm>> -> memref<8192x32xf32, #tpu.memory_space<hbm>>
    tpu.wait_indirect_dma semaphore(%arg7 : memref<!tpu.dma_semaphore, #tpu.memory_space<semaphore_mem>>) src(%dma_wait3A_6 : memref<8192x32xf32, #tpu.memory_space<hbm>>) dst(%arg6 : memref<512x32xf32, #tpu.memory_space<vmem>>)
    "tpu.region"() ({
      %run_scoped3A = tpu.sem_alloc : memref<!tpu.dma_semaphore, #tpu.memory_space<semaphore_mem>>
      %dma_start3A_7 = arith.constant 0 : i32
      %dma_start3A_8 = tpu.memref_slice %arg4[%mul3A_2, %dma_start3A_7] : memref<16384x32xf32, #tpu.memory_space<hbm>> -> memref<512x32xf32, #tpu.memory_space<hbm>>
      %dma_start3A_9 = arith.constant 0 : i32
      %dma_start3A_10 = tpu.memref_slice %arg4[%mul3A_2, %dma_start3A_9] : memref<16384x32xf32, #tpu.memory_space<hbm>> -> memref<512x32xf32, #tpu.memory_space<hbm>>
      tpu.enqueue_dma source(%arg6 : memref<512x32xf32, #tpu.memory_space<vmem>>) target(%dma_start3A_10 : memref<512x32xf32, #tpu.memory_space<hbm>>) target_semaphore(%run_scoped3A : memref<!tpu.dma_semaphore, #tpu.memory_space<semaphore_mem>>)
      %dma_wait3A_11 = arith.constant 0 : i32
      %dma_wait3A_12 = tpu.memref_slice %arg4[%mul3A_2, %dma_wait3A_11] : memref<16384x32xf32, #tpu.memory_space<hbm>> -> memref<512x32xf32, #tpu.memory_space<hbm>>
      %dma_wait3A_13 = arith.constant 0 : i32
      %dma_wait3A_14 = tpu.memref_slice %arg4[%mul3A_2, %dma_wait3A_13] : memref<16384x32xf32, #tpu.memory_space<hbm>> -> memref<512x32xf32, #tpu.memory_space<hbm>>
      tpu.wait_dma2 semaphore(%run_scoped3A : memref<!tpu.dma_semaphore, #tpu.memory_space<semaphore_mem>>) src(%arg6 : memref<512x32xf32, #tpu.memory_space<vmem>>) dst(%dma_wait3A_14 : memref<512x32xf32, #tpu.memory_space<hbm>>)
      tpu.yield
    }) : () -> ()
    return
  }
}

module attributes {stable_mosaic.version = 14 : i64} {
  func.func @_argmin_body(%arg0: i32, %arg1: memref<1024x32xf32, #tpu.memory_space<vmem>>, %arg2: memref<1024x32xbf16, #tpu.memory_space<vmem>>, %arg3: memref<8192x32xf32, #tpu.memory_space<vmem>>, %arg4: memref<8192x32xbf16, #tpu.memory_space<vmem>>, %arg5: memref<1x1x1024xi32, #tpu.memory_space<vmem>>, %arg6: memref<1x1x128xf32, #tpu.memory_space<vmem>>) attributes {dimension_semantics = [#tpu.dimension_semantics<arbitrary>], iteration_bounds = array<i64: 16>, scalar_prefetch = 0 : i64, scratch_operands = 0 : i64, tpu.core_type = #tpu.core_type<tc>, window_params = [{transform_indices = @transform_0, window_bounds = array<i64: 1024, 32>}, {transform_indices = @transform_1, window_bounds = array<i64: 1024, 32>}, {pipeline_mode = #tpu.pipeline_mode<synchronous>, transform_indices = @transform_2, window_bounds = array<i64: 8192, 32>}, {pipeline_mode = #tpu.pipeline_mode<synchronous>, transform_indices = @transform_3, window_bounds = array<i64: 8192, 32>}, {transform_indices = @transform_4, window_bounds = array<i64: 1, 1, 1024>}, {transform_indices = @transform_5, window_bounds = array<i64: 1, 1, 128>}]} {
    %get3A = arith.constant 0 : index
    %get3A_0 = arith.constant 0 : index
    %get3A_1 = vector.load %arg1[%get3A, %get3A_0] : memref<1024x32xf32, #tpu.memory_space<vmem>>, vector<1024x32xf32>
    %get3A_2 = arith.constant 0 : index
    %get3A_3 = arith.constant 0 : index
    %get3A_4 = vector.load %arg2[%get3A_2, %get3A_3] : memref<1024x32xbf16, #tpu.memory_space<vmem>>, vector<1024x32xbf16>
    %mul3A = arith.mulf %get3A_1, %get3A_1 : vector<1024x32xf32>
    %reduce_sum3A = arith.constant dense<0.000000e+00> : vector<1024xf32>
    %reduce_sum3A_5 = vector.multi_reduction <add>, %mul3A, %reduce_sum3A [1] : vector<1024x32xf32> to vector<1024xf32>
    %iota3A = tpu.iota {dimensions = array<i32: 1>} : vector<1024x2048xi32>
    %convert_element_type3A = arith.sitofp %iota3A : vector<1024x2048xi32> to vector<1024x2048xf32>
    %broadcast_in_dim3A = arith.constant 0x7F800000 : f32
    %broadcast_in_dim3A_6 = vector.broadcast %broadcast_in_dim3A : f32 to vector<1024xf32>
    %broadcast_in_dim3A_7 = arith.constant 0 : i32
    %broadcast_in_dim3A_8 = vector.broadcast %broadcast_in_dim3A_7 : i32 to vector<1024xi32>
    %get3A_9 = arith.constant 0 : index
    %get3A_10 = arith.constant 0 : index
    %get3A_11 = vector.load %arg3[%get3A_9, %get3A_10] : memref<8192x32xf32, #tpu.memory_space<vmem>>, vector<2048x32xf32>
    %get3A_12 = arith.constant 0 : index
    %get3A_13 = arith.constant 0 : index
    %get3A_14 = vector.load %arg4[%get3A_12, %get3A_13] : memref<8192x32xbf16, #tpu.memory_space<vmem>>, vector<2048x32xbf16>
    %mul3A_15 = arith.mulf %get3A_11, %get3A_11 : vector<2048x32xf32>
    %reduce_sum3A_16 = arith.constant dense<0.000000e+00> : vector<2048xf32>
    %reduce_sum3A_17 = vector.multi_reduction <add>, %mul3A_15, %reduce_sum3A_16 [1] : vector<2048x32xf32> to vector<2048xf32>
    %dot_general3A = arith.constant dense<0.000000e+00> : vector<1024x2048xf32>
    %dot_general3A_18 = tpu.matmul %get3A_4, %get3A_14, %dot_general3A {dimension_numbers = #tpu.dot_dimension_numbers<[1], [1], [0], [0], [0, 0, 1, 0], [], []>, transpose_lhs_hint = false} : vector<1024x32xbf16>, vector<2048x32xbf16>, vector<1024x2048xf32> -> vector<1024x2048xf32>
    %broadcast_in_dim3A_19 = vector.shape_cast %reduce_sum3A_5 : vector<1024xf32> to vector<1024x1xf32>
    %sub3A = vector.broadcast %broadcast_in_dim3A_19 : vector<1024x1xf32> to vector<1024x2048xf32>
    %sub3A_20 = arith.subf %sub3A, %dot_general3A_18 : vector<1024x2048xf32>
    %broadcast_in_dim3A_21 = vector.shape_cast %reduce_sum3A_17 : vector<2048xf32> to vector<1x2048xf32>
    %add3A = vector.broadcast %broadcast_in_dim3A_21 : vector<1x2048xf32> to vector<1024x2048xf32>
    %add3A_22 = arith.addf %sub3A_20, %add3A : vector<1024x2048xf32>
    %reduce_min3A = arith.constant dense<0x7F800000> : vector<1024xf32>
    %reduce_min3A_23 = vector.multi_reduction <minimumf>, %add3A_22, %reduce_min3A [1] : vector<1024x2048xf32> to vector<1024xf32>
    %broadcast_in_dim3A_24 = vector.shape_cast %reduce_min3A_23 : vector<1024xf32> to vector<1024x1xf32>
    %eq3A = vector.broadcast %broadcast_in_dim3A_24 : vector<1024x1xf32> to vector<1024x2048xf32>
    %eq3A_25 = arith.cmpf oeq, %add3A_22, %eq3A : vector<1024x2048xf32>
    %jit3A = arith.constant 0x4B800000 : f32
    %broadcast_in_dim3A_26 = vector.broadcast %jit3A : f32 to vector<1024x2048xf32>
    %select_n3A = arith.select %eq3A_25, %convert_element_type3A, %broadcast_in_dim3A_26 : vector<1024x2048xi1>, vector<1024x2048xf32>
    %reduce_min3A_27 = arith.constant dense<0x7F800000> : vector<1024xf32>
    %reduce_min3A_28 = vector.multi_reduction <minimumf>, %select_n3A, %reduce_min3A_27 [1] : vector<1024x2048xf32> to vector<1024xf32>
    %convert_element_type3A_29 = arith.fptosi %reduce_min3A_28 : vector<1024xf32> to vector<1024xi32>
    %add3A_30 = arith.constant 0 : i32
    %add3A_31 = vector.broadcast %add3A_30 : i32 to vector<1024xi32>
    %add3A_32 = arith.addi %convert_element_type3A_29, %add3A_31 : vector<1024xi32>
    %lt3A = arith.cmpf olt, %reduce_min3A_23, %broadcast_in_dim3A_6 : vector<1024xf32>
    %select_n3A_33 = arith.select %lt3A, %reduce_min3A_23, %broadcast_in_dim3A_6 : vector<1024xi1>, vector<1024xf32>
    %select_n3A_34 = arith.select %lt3A, %add3A_32, %broadcast_in_dim3A_8 : vector<1024xi1>, vector<1024xi32>
    %get3A_35 = arith.constant 2048 : index
    %get3A_36 = arith.constant 0 : index
    %get3A_37 = vector.load %arg3[%get3A_35, %get3A_36] : memref<8192x32xf32, #tpu.memory_space<vmem>>, vector<2048x32xf32>
    %get3A_38 = arith.constant 2048 : index
    %get3A_39 = arith.constant 0 : index
    %get3A_40 = vector.load %arg4[%get3A_38, %get3A_39] : memref<8192x32xbf16, #tpu.memory_space<vmem>>, vector<2048x32xbf16>
    %mul3A_41 = arith.mulf %get3A_37, %get3A_37 : vector<2048x32xf32>
    %reduce_sum3A_42 = arith.constant dense<0.000000e+00> : vector<2048xf32>
    %reduce_sum3A_43 = vector.multi_reduction <add>, %mul3A_41, %reduce_sum3A_42 [1] : vector<2048x32xf32> to vector<2048xf32>
    %dot_general3A_44 = arith.constant dense<0.000000e+00> : vector<1024x2048xf32>
    %dot_general3A_45 = tpu.matmul %get3A_4, %get3A_40, %dot_general3A_44 {dimension_numbers = #tpu.dot_dimension_numbers<[1], [1], [0], [0], [0, 0, 1, 0], [], []>, transpose_lhs_hint = false} : vector<1024x32xbf16>, vector<2048x32xbf16>, vector<1024x2048xf32> -> vector<1024x2048xf32>
    %broadcast_in_dim3A_46 = vector.shape_cast %reduce_sum3A_5 : vector<1024xf32> to vector<1024x1xf32>
    %sub3A_47 = vector.broadcast %broadcast_in_dim3A_46 : vector<1024x1xf32> to vector<1024x2048xf32>
    %sub3A_48 = arith.subf %sub3A_47, %dot_general3A_45 : vector<1024x2048xf32>
    %broadcast_in_dim3A_49 = vector.shape_cast %reduce_sum3A_43 : vector<2048xf32> to vector<1x2048xf32>
    %add3A_50 = vector.broadcast %broadcast_in_dim3A_49 : vector<1x2048xf32> to vector<1024x2048xf32>
    %add3A_51 = arith.addf %sub3A_48, %add3A_50 : vector<1024x2048xf32>
    %reduce_min3A_52 = arith.constant dense<0x7F800000> : vector<1024xf32>
    %reduce_min3A_53 = vector.multi_reduction <minimumf>, %add3A_51, %reduce_min3A_52 [1] : vector<1024x2048xf32> to vector<1024xf32>
    %broadcast_in_dim3A_54 = vector.shape_cast %reduce_min3A_53 : vector<1024xf32> to vector<1024x1xf32>
    %eq3A_55 = vector.broadcast %broadcast_in_dim3A_54 : vector<1024x1xf32> to vector<1024x2048xf32>
    %eq3A_56 = arith.cmpf oeq, %add3A_51, %eq3A_55 : vector<1024x2048xf32>
    %jit3A_57 = arith.constant 0x4B800000 : f32
    %broadcast_in_dim3A_58 = vector.broadcast %jit3A_57 : f32 to vector<1024x2048xf32>
    %select_n3A_59 = arith.select %eq3A_56, %convert_element_type3A, %broadcast_in_dim3A_58 : vector<1024x2048xi1>, vector<1024x2048xf32>
    %reduce_min3A_60 = arith.constant dense<0x7F800000> : vector<1024xf32>
    %reduce_min3A_61 = vector.multi_reduction <minimumf>, %select_n3A_59, %reduce_min3A_60 [1] : vector<1024x2048xf32> to vector<1024xf32>
    %convert_element_type3A_62 = arith.fptosi %reduce_min3A_61 : vector<1024xf32> to vector<1024xi32>
    %add3A_63 = arith.constant 2048 : i32
    %add3A_64 = vector.broadcast %add3A_63 : i32 to vector<1024xi32>
    %add3A_65 = arith.addi %convert_element_type3A_62, %add3A_64 : vector<1024xi32>
    %lt3A_66 = arith.cmpf olt, %reduce_min3A_53, %select_n3A_33 : vector<1024xf32>
    %select_n3A_67 = arith.select %lt3A_66, %reduce_min3A_53, %select_n3A_33 : vector<1024xi1>, vector<1024xf32>
    %select_n3A_68 = arith.select %lt3A_66, %add3A_65, %select_n3A_34 : vector<1024xi1>, vector<1024xi32>
    %broadcast_in_dim3A_69 = arith.constant 0x7F800000 : f32
    %broadcast_in_dim3A_70 = vector.broadcast %broadcast_in_dim3A_69 : f32 to vector<1024xf32>
    %broadcast_in_dim3A_71 = arith.constant 0 : i32
    %broadcast_in_dim3A_72 = vector.broadcast %broadcast_in_dim3A_71 : i32 to vector<1024xi32>
    %get3A_73 = arith.constant 4096 : index
    %get3A_74 = arith.constant 0 : index
    %get3A_75 = vector.load %arg3[%get3A_73, %get3A_74] : memref<8192x32xf32, #tpu.memory_space<vmem>>, vector<2048x32xf32>
    %get3A_76 = arith.constant 4096 : index
    %get3A_77 = arith.constant 0 : index
    %get3A_78 = vector.load %arg4[%get3A_76, %get3A_77] : memref<8192x32xbf16, #tpu.memory_space<vmem>>, vector<2048x32xbf16>
    %mul3A_79 = arith.mulf %get3A_75, %get3A_75 : vector<2048x32xf32>
    %reduce_sum3A_80 = arith.constant dense<0.000000e+00> : vector<2048xf32>
    %reduce_sum3A_81 = vector.multi_reduction <add>, %mul3A_79, %reduce_sum3A_80 [1] : vector<2048x32xf32> to vector<2048xf32>
    %dot_general3A_82 = arith.constant dense<0.000000e+00> : vector<1024x2048xf32>
    %dot_general3A_83 = tpu.matmul %get3A_4, %get3A_78, %dot_general3A_82 {dimension_numbers = #tpu.dot_dimension_numbers<[1], [1], [0], [0], [0, 0, 1, 0], [], []>, transpose_lhs_hint = false} : vector<1024x32xbf16>, vector<2048x32xbf16>, vector<1024x2048xf32> -> vector<1024x2048xf32>
    %broadcast_in_dim3A_84 = vector.shape_cast %reduce_sum3A_5 : vector<1024xf32> to vector<1024x1xf32>
    %sub3A_85 = vector.broadcast %broadcast_in_dim3A_84 : vector<1024x1xf32> to vector<1024x2048xf32>
    %sub3A_86 = arith.subf %sub3A_85, %dot_general3A_83 : vector<1024x2048xf32>
    %broadcast_in_dim3A_87 = vector.shape_cast %reduce_sum3A_81 : vector<2048xf32> to vector<1x2048xf32>
    %add3A_88 = vector.broadcast %broadcast_in_dim3A_87 : vector<1x2048xf32> to vector<1024x2048xf32>
    %add3A_89 = arith.addf %sub3A_86, %add3A_88 : vector<1024x2048xf32>
    %reduce_min3A_90 = arith.constant dense<0x7F800000> : vector<1024xf32>
    %reduce_min3A_91 = vector.multi_reduction <minimumf>, %add3A_89, %reduce_min3A_90 [1] : vector<1024x2048xf32> to vector<1024xf32>
    %broadcast_in_dim3A_92 = vector.shape_cast %reduce_min3A_91 : vector<1024xf32> to vector<1024x1xf32>
    %eq3A_93 = vector.broadcast %broadcast_in_dim3A_92 : vector<1024x1xf32> to vector<1024x2048xf32>
    %eq3A_94 = arith.cmpf oeq, %add3A_89, %eq3A_93 : vector<1024x2048xf32>
    %jit3A_95 = arith.constant 0x4B800000 : f32
    %broadcast_in_dim3A_96 = vector.broadcast %jit3A_95 : f32 to vector<1024x2048xf32>
    %select_n3A_97 = arith.select %eq3A_94, %convert_element_type3A, %broadcast_in_dim3A_96 : vector<1024x2048xi1>, vector<1024x2048xf32>
    %reduce_min3A_98 = arith.constant dense<0x7F800000> : vector<1024xf32>
    %reduce_min3A_99 = vector.multi_reduction <minimumf>, %select_n3A_97, %reduce_min3A_98 [1] : vector<1024x2048xf32> to vector<1024xf32>
    %convert_element_type3A_100 = arith.fptosi %reduce_min3A_99 : vector<1024xf32> to vector<1024xi32>
    %add3A_101 = arith.constant 4096 : i32
    %add3A_102 = vector.broadcast %add3A_101 : i32 to vector<1024xi32>
    %add3A_103 = arith.addi %convert_element_type3A_100, %add3A_102 : vector<1024xi32>
    %lt3A_104 = arith.cmpf olt, %reduce_min3A_91, %broadcast_in_dim3A_70 : vector<1024xf32>
    %select_n3A_105 = arith.select %lt3A_104, %reduce_min3A_91, %broadcast_in_dim3A_70 : vector<1024xi1>, vector<1024xf32>
    %select_n3A_106 = arith.select %lt3A_104, %add3A_103, %broadcast_in_dim3A_72 : vector<1024xi1>, vector<1024xi32>
    %get3A_107 = arith.constant 6144 : index
    %get3A_108 = arith.constant 0 : index
    %get3A_109 = vector.load %arg3[%get3A_107, %get3A_108] : memref<8192x32xf32, #tpu.memory_space<vmem>>, vector<2048x32xf32>
    %get3A_110 = arith.constant 6144 : index
    %get3A_111 = arith.constant 0 : index
    %get3A_112 = vector.load %arg4[%get3A_110, %get3A_111] : memref<8192x32xbf16, #tpu.memory_space<vmem>>, vector<2048x32xbf16>
    %mul3A_113 = arith.mulf %get3A_109, %get3A_109 : vector<2048x32xf32>
    %reduce_sum3A_114 = arith.constant dense<0.000000e+00> : vector<2048xf32>
    %reduce_sum3A_115 = vector.multi_reduction <add>, %mul3A_113, %reduce_sum3A_114 [1] : vector<2048x32xf32> to vector<2048xf32>
    %dot_general3A_116 = arith.constant dense<0.000000e+00> : vector<1024x2048xf32>
    %dot_general3A_117 = tpu.matmul %get3A_4, %get3A_112, %dot_general3A_116 {dimension_numbers = #tpu.dot_dimension_numbers<[1], [1], [0], [0], [0, 0, 1, 0], [], []>, transpose_lhs_hint = false} : vector<1024x32xbf16>, vector<2048x32xbf16>, vector<1024x2048xf32> -> vector<1024x2048xf32>
    %broadcast_in_dim3A_118 = vector.shape_cast %reduce_sum3A_5 : vector<1024xf32> to vector<1024x1xf32>
    %sub3A_119 = vector.broadcast %broadcast_in_dim3A_118 : vector<1024x1xf32> to vector<1024x2048xf32>
    %sub3A_120 = arith.subf %sub3A_119, %dot_general3A_117 : vector<1024x2048xf32>
    %broadcast_in_dim3A_121 = vector.shape_cast %reduce_sum3A_115 : vector<2048xf32> to vector<1x2048xf32>
    %add3A_122 = vector.broadcast %broadcast_in_dim3A_121 : vector<1x2048xf32> to vector<1024x2048xf32>
    %add3A_123 = arith.addf %sub3A_120, %add3A_122 : vector<1024x2048xf32>
    %reduce_min3A_124 = arith.constant dense<0x7F800000> : vector<1024xf32>
    %reduce_min3A_125 = vector.multi_reduction <minimumf>, %add3A_123, %reduce_min3A_124 [1] : vector<1024x2048xf32> to vector<1024xf32>
    %broadcast_in_dim3A_126 = vector.shape_cast %reduce_min3A_125 : vector<1024xf32> to vector<1024x1xf32>
    %eq3A_127 = vector.broadcast %broadcast_in_dim3A_126 : vector<1024x1xf32> to vector<1024x2048xf32>
    %eq3A_128 = arith.cmpf oeq, %add3A_123, %eq3A_127 : vector<1024x2048xf32>
    %jit3A_129 = arith.constant 0x4B800000 : f32
    %broadcast_in_dim3A_130 = vector.broadcast %jit3A_129 : f32 to vector<1024x2048xf32>
    %select_n3A_131 = arith.select %eq3A_128, %convert_element_type3A, %broadcast_in_dim3A_130 : vector<1024x2048xi1>, vector<1024x2048xf32>
    %reduce_min3A_132 = arith.constant dense<0x7F800000> : vector<1024xf32>
    %reduce_min3A_133 = vector.multi_reduction <minimumf>, %select_n3A_131, %reduce_min3A_132 [1] : vector<1024x2048xf32> to vector<1024xf32>
    %convert_element_type3A_134 = arith.fptosi %reduce_min3A_133 : vector<1024xf32> to vector<1024xi32>
    %add3A_135 = arith.constant 6144 : i32
    %add3A_136 = vector.broadcast %add3A_135 : i32 to vector<1024xi32>
    %add3A_137 = arith.addi %convert_element_type3A_134, %add3A_136 : vector<1024xi32>
    %lt3A_138 = arith.cmpf olt, %reduce_min3A_125, %select_n3A_105 : vector<1024xf32>
    %select_n3A_139 = arith.select %lt3A_138, %reduce_min3A_125, %select_n3A_105 : vector<1024xi1>, vector<1024xf32>
    %select_n3A_140 = arith.select %lt3A_138, %add3A_137, %select_n3A_106 : vector<1024xi1>, vector<1024xi32>
    %bitcast_convert_type3A = tpu.bitcast %select_n3A_67 : vector<1024xf32> -> vector<1024xi32>
    %add3A_141 = arith.constant 32767 : i32
    %add3A_142 = vector.broadcast %add3A_141 : i32 to vector<1024xi32>
    %add3A_143 = arith.addi %bitcast_convert_type3A, %add3A_142 : vector<1024xi32>
    %shift_right_arithmetic3A = arith.constant 16 : i32
    %shift_right_arithmetic3A_144 = vector.broadcast %shift_right_arithmetic3A : i32 to vector<1024xi32>
    %shift_right_arithmetic3A_145 = arith.shrsi %bitcast_convert_type3A, %shift_right_arithmetic3A_144 : vector<1024xi32>
    %and3A = arith.constant 1 : i32
    %and3A_146 = vector.broadcast %and3A : i32 to vector<1024xi32>
    %and3A_147 = arith.andi %shift_right_arithmetic3A_145, %and3A_146 : vector<1024xi32>
    %add3A_148 = arith.addi %add3A_143, %and3A_147 : vector<1024xi32>
    %and3A_149 = arith.constant -65536 : i32
    %and3A_150 = vector.broadcast %and3A_149 : i32 to vector<1024xi32>
    %and3A_151 = arith.andi %add3A_148, %and3A_150 : vector<1024xi32>
    %bitcast_convert_type3A_152 = tpu.bitcast %and3A_151 : vector<1024xi32> -> vector<1024xf32>
    %lt3A_153 = arith.cmpf olt, %select_n3A_139, %bitcast_convert_type3A_152 : vector<1024xf32>
    %select_n3A_154 = arith.select %lt3A_153, %select_n3A_140, %select_n3A_68 : vector<1024xi1>, vector<1024xi32>
    %select_n3A_155 = arith.select %lt3A_153, %select_n3A_139, %select_n3A_67 : vector<1024xi1>, vector<1024xf32>
    %swap3A = arith.constant 0 : index
    %swap3A_156 = arith.constant 0 : index
    %swap3A_157 = arith.constant 0 : index
    %swap3A_158 = vector.load %arg5[%swap3A, %swap3A_156, %swap3A_157] : memref<1x1x1024xi32, #tpu.memory_space<vmem>>, vector<1x1x1024xi32>
    %swap3A_159 = vector.shape_cast %swap3A_158 : vector<1x1x1024xi32> to vector<1024xi32>
    %swap3A_160 = vector.shape_cast %select_n3A_154 : vector<1024xi32> to vector<1x1x1024xi32>
    tpu.vector_store %arg5[%swap3A, %swap3A_156, %swap3A_157], %swap3A_160 {strides = array<i32>} : memref<1x1x1024xi32, #tpu.memory_space<vmem>>, vector<1x1x1024xi32>,
    %reduce_sum3A_161 = vector.shape_cast %select_n3A_155 : vector<1024xf32> to vector<1x1024xf32>
    %reduce_sum3A_162 = arith.constant dense<0.000000e+00> : vector<1xf32>
    %reduce_sum3A_163 = vector.multi_reduction <add>, %reduce_sum3A_161, %reduce_sum3A_162 [1] : vector<1x1024xf32> to vector<1xf32>
    %reduce_sum3A_164 = vector.shape_cast %reduce_sum3A_163 : vector<1xf32> to vector<1x1xf32>
    %reduce_sum3A_165 = vector.extract %reduce_sum3A_164[0, 0] : f32 from vector<1x1xf32>
    %broadcast_in_dim3A_166 = vector.broadcast %reduce_sum3A_165 : f32 to vector<128xf32>
    %swap3A_167 = arith.constant 0 : index
    %swap3A_168 = arith.constant 0 : index
    %swap3A_169 = arith.constant 0 : index
    %swap3A_170 = vector.load %arg6[%swap3A_167, %swap3A_168, %swap3A_169] : memref<1x1x128xf32, #tpu.memory_space<vmem>>, vector<1x1x128xf32>
    %swap3A_171 = vector.shape_cast %swap3A_170 : vector<1x1x128xf32> to vector<128xf32>
    %swap3A_172 = vector.shape_cast %broadcast_in_dim3A_166 : vector<128xf32> to vector<1x1x128xf32>
    tpu.vector_store %arg6[%swap3A_167, %swap3A_168, %swap3A_169], %swap3A_172 {strides = array<i32>} : memref<1x1x128xf32, #tpu.memory_space<vmem>>, vector<1x1x128xf32>,
    return
  }
  func.func @transform_0(%arg0: i32) -> (i32, i32) {
    %c0_i32 = arith.constant 0 : i32
    %c0_i32_0 = arith.constant 0 : i32
    return %arg0, %c0_i32 : i32, i32
  }
  func.func @transform_1(%arg0: i32) -> (i32, i32) {
    %c0_i32 = arith.constant 0 : i32
    %c0_i32_0 = arith.constant 0 : i32
    return %arg0, %c0_i32 : i32, i32
  }
  func.func @transform_2(%arg0: i32) -> (i32, i32) {
    %c0_i32 = arith.constant 0 : i32
    %c0_i32_0 = arith.constant 0 : i32
    %c0_i32_1 = arith.constant 0 : i32
    return %c0_i32, %c0_i32_0 : i32, i32
  }
  func.func @transform_3(%arg0: i32) -> (i32, i32) {
    %c0_i32 = arith.constant 0 : i32
    %c0_i32_0 = arith.constant 0 : i32
    %c0_i32_1 = arith.constant 0 : i32
    return %c0_i32, %c0_i32_0 : i32, i32
  }
  func.func @transform_4(%arg0: i32) -> (i32, i32, i32) {
    %c0_i32 = arith.constant 0 : i32
    %c0_i32_0 = arith.constant 0 : i32
    %c0_i32_1 = arith.constant 0 : i32
    return %arg0, %c0_i32, %c0_i32_0 : i32, i32, i32
  }
  func.func @transform_5(%arg0: i32) -> (i32, i32, i32) {
    %c0_i32 = arith.constant 0 : i32
    %c0_i32_0 = arith.constant 0 : i32
    %c0_i32_1 = arith.constant 0 : i32
    return %arg0, %c0_i32, %c0_i32_0 : i32, i32, i32
  }
}

</mosaic_0001>

<sc_bundles>
// kernel: kernel.4.cloned.1.call-start
scs
__scs_entry_jumppad:
0x0: {  	(pc) =	sbr.rel $0x88, $3  }
0x1: {  	(tag) =	ssettag $0x0;
	lr =	simm.s32 $0x1  }
0x2: {  	[smem:$0x3F9F] =	sst lr;
	_ =	strace $0xD0000000  }
0x3: {  	_ = 	snop  }
0x4: {  	_ = 	snop  }
0x5: {  	_ = 	snop  }
0x6: {  	_ = 	snop  }
0x7: {  	_ = 	snop  }
__scs_overlays_trampoline_lowered:
0x8: {  	[smem:$0x3FAE] =	sst s0  }
0x9: {  	[smem:$0x3FAF] =	sst s1  }
0xa: {  	[smem:$0x3FB0] =	sst s2  }
0xb: {  	[smem:$0x3FB1] =	sst s3  }
0xc: {  	[smem:$0x3FB2] =	sst s4  }
0xd: {  	[smem:$0x3FB3] =	sst s5  }
0xe: {  	[smem:$0x3FB4] =	sst s6  }
0xf: {  	[smem:$0x3FB5] =	sst s7  }
0x10: {  	[smem:$0x3FB6] =	sst s8  }
0x11: {  	[smem:$0x3FB7] =	sst s9;
	s0 =	simm.s32 @!p0 $0x0  }
0x12: {  	s1 =	sld [smem:$0x3F9D];
	s0 =	simm.s32 @p0 $0x1  }
0x13: {  	[smem:$0x3FB8] =	sst s0;
	s0 =	simm.s32 @!p1 $0x0  }
0x14: {  	s2 =	sld [smem:$0x3F9C];
	s0 =	simm.s32 @p1 $0x1  }
0x15: {  	[smem:$0x3FB9] =	sst s0;
	s0 =	simm.s32 @!p2 $0x0  }
0x16: {  	s3 =	sld [smem:$0x3FDB];
	s0 =	simm.s32 @p2 $0x1  }
0x17: {  	s4 =	simm.s32 $0x1BF5;
	[smem:$0x3FBB] =	sst s0  }
0x18: {  	s0 =	sld [smem:$0x3F9E];
	_ =	swait.ge [sflag:s4], $0x0  }
0x19: {  	s7 =	sld [smem:$0x3F9F]  }
0x1a: {  	s8 =	sadd.s32 $0xFFFFE003, lr  }
0x1b: {  	s9 =	sadd.s32 $0xFFFFFEF7, lr;
	s5 =	simm.s32 $0xFFFFFFFF;
	p2 =	slt.u32 s8, $0xFFFFF086  }
0x1c: {  	p1 =	slt.u32 s9, $0xF7A;
	s5 =	simm.s32 @!p2 $0x0  }
0x1d: {  	s5 =	simm.s32 @p1 $0x1;
	p0 =	seq.s32 s7, s2  }
0x1e: {  	s7 =	smul.u32 @!p0 $0xF7A, s2;
	p2 =	seq.s32 @!p0 s5, $0x0  }
0x1f: {  	s9 =	smul.u32 $0xF7A, s1;
	s8 =	simm.s32 @!p0 $0x1BF5;
	p2 =	por !p2, p0  }
0x20: {  	[sflag:s8] =	ssyncset.s32 @!p0 $0xFFFFF086;
	s6 =	sadd.s32 @!p0 s3, s7;
	s7 =	simm.s32 @!p0 $0x108  }
0x21: {  	s3 =	sadd.s32 s3, s9;
	s6 =	sadd.s32 @!p0 $0x88, s6;
	s7 =	simm.s32 @p2 $0x1082  }
0x22: {  	[simem:s7], [sflag:s8] =	dma.local @!p0 [hbm:s6], $0xF7A  }
0x23: {  	s9 =	sor.u32 $0xD0000000, s2;
	s6 =	simm.s32 $0x108;
	_ =	swait.ge @!p0 [sflag:s8], $0x0  }
0x24: {  	s3 =	sadd.s32 $0x88, s3;
	s6 =	simm.s32 @!p1 $0x1082;
	[sflag:s4] =	ssyncset.s32 $0xFFFFF086  }
0x25: {  	[simem:s6], [sflag:s4] =	dma.local [hbm:s3], $0xF7A  }
0x26: {  	[smem:$0x3F9F] =	sst s1;
	(tag) =	ssettag s2;
	_ =	strace s9  }
0x27: {  	s1 =	sld [smem:$0x3FAF]  }
0x28: {  	s2 =	sld [smem:$0x3FB0]  }
0x29: {  	s4 =	sld [smem:$0x3FB2]  }
0x2a: {  	p0 =	seq.s32 s5, $0x0;
	s5 =	sld [smem:$0x3FB3]  }
0x2b: {  	s6 =	sld [smem:$0x3FB4]  }
0x2c: {  	s7 =	sld [smem:$0x3FB5]  }
0x2d: {  	s3 =	simm.s32 $0x108;
	s8 =	sld [smem:$0x3FB6]  }
0x2e: {  	s3 =	simm.s32 @!p0 $0x1082;
	s9 =	sld [smem:$0x3FB7]  }
0x2f: {  	lr =	sadd.s32 s0, s3;
	s0 =	sld [smem:$0x3FAE]  }
0x30: {  	s3 =	sld [smem:$0x3FB1]  }
0x31: {  	[smem:$0x3FBA] =	sst s10  }
0x32: {  	s10 =	sld [smem:$0x3FB8];
	_ =	sdelay $0x3  }
0x33: {  	p0 =	seq.s32 s10, $0x1;
	s10 =	sld [smem:$0x3FBA];
	_ =	sdelay $0x3  }
0x34: {  	[smem:$0x3FBA] =	sst s10  }
0x35: {  	s10 =	sld [smem:$0x3FB9];
	_ =	sdelay $0x3  }
0x36: {  	p1 =	seq.s32 s10, $0x1;
	s10 =	sld [smem:$0x3FBA];
	_ =	sdelay $0x3  }
0x37: {  	[smem:$0x3FBA] =	sst s10  }
0x38: {  	s10 =	sld [smem:$0x3FBB]  }
0x39: {  	_ = 	snop;
	(pc) =	sbr.ind lr, $3  }
0x3a: {  	_ = 	snop  }
0x3b: {  	_ = 	snop  }
0x3c: {  	p2 =	seq.s32 s10, $0x1;
	s10 =	sld [smem:$0x3FBA]  }
0x3d: {  	_ =	shalt  }
0x3e: {  	_ =	shalt  }
0x3f: {  	_ =	shalt  }
0x40: {  	_ =	shalt  }
0x41: {  	_ =	shalt  }
0x42: {  	_ =	shalt  }
0x43: {  	_ =	shalt  }
0x44: {  	_ =	shalt  }
0x45: {  	_ =	shalt  }
0x46: {  	_ =	shalt  }
0x47: {  	_ =	shalt  }
0x48: {  	_ =	shalt  }
0x49: {  	_ =	shalt  }
0x4a: {  	_ =	shalt  }
0x4b: {  	_ =	shalt  }
0x4c: {  	_ =	shalt  }
0x4d: {  	_ =	shalt  }
0x4e: {  	_ =	shalt  }
0x4f: {  	_ =	shalt  }
0x50: {  	_ =	shalt  }
0x51: {  	_ =	shalt  }
0x52: {  	_ =	shalt  }
0x53: {  	_ =	shalt  }
0x54: {  	_ =	shalt  }
0x55: {  	_ =	shalt  }
0x56: {  	_ =	shalt  }
0x57: {  	_ =	shalt  }
0x58: {  	_ =	shalt  }
0x59: {  	_ =	shalt  }
0x5a: {  	_ =	shalt  }
0x5b: {  	_ =	shalt  }
0x5c: {  	_ =	shalt  }
0x5d: {  	_ =	shalt  }
0x5e: {  	_ =	shalt  }
0x5f: {  	_ =	shalt  }
0x60: {  	_ =	shalt  }
0x61: {  	_ =	shalt  }
0x62: {  	_ =	shalt  }
0x63: {  	_ =	shalt  }
0x64: {  	_ =	shalt  }
0x65: {  	_ =	shalt  }
0x66: {  	_ =	shalt  }
0x67: {  	_ =	shalt  }
0x68: {  	_ =	shalt  }
0x69: {  	_ =	shalt  }
0x6a: {  	_ =	shalt  }
0x6b: {  	_ =	shalt  }
0x6c: {  	_ =	shalt  }
0x6d: {  	_ =	shalt  }
0x6e: {  	_ =	shalt  }
0x6f: {  	_ =	shalt  }
0x70: {  	_ =	shalt  }
0x71: {  	_ =	shalt  }
0x72: {  	_ =	shalt  }
0x73: {  	_ =	shalt  }
0x74: {  	_ =	shalt  }
0x75: {  	_ =	shalt  }
0x76: {  	_ =	shalt  }
0x77: {  	_ =	shalt  }
0x78: {  	_ =	shalt  }
0x79: {  	_ =	shalt  }
0x7a: {  	_ =	shalt  }
0x7b: {  	_ =	shalt  }
0x7c: {  	_ =	shalt  }
0x7d: {  	_ =	shalt  }
0x7e: {  	_ =	shalt  }
0x7f: {  	_ =	shalt  }
0x80: {  	_ =	shalt  }
0x81: {  	_ =	shalt  }
0x82: {  	_ =	shalt  }
0x83: {  	_ =	shalt  }
0x84: {  	_ =	shalt  }
0x85: {  	_ =	shalt  }
0x86: {  	_ =	shalt  }
0x87: {  	_ =	shalt  }
.Lfunc_end0:
.L_simem_size_0:
called_computation_lowered:
.L_overlay_start_0:
0x88: {  	s2 =	sld [smem:$0x3FD9]  }
0x89: {  	s3 =	sld [smem:$0x3FFE];
	_ =	sdelay $0x1  }
0x8a: {  	s1 =	srdreg.scid  }
0x8b: {  	s0 =	sand.u32 $0x1, s1  }
0x8c: {  	s14 =	sshll.u32 s0, $0xA;
	s2 =	sadd.s32 s3, s2  }
0x8d: {  	s2 =	sadd.s32 s2, s14  }
0x8e: {  	[smem:$0x3FC6] =	sst s2  }
0x8f: {  	_ = 	snop  }
0x90: {  	s2 =	sld [smem:$0x3FD0];
	_ =	sdelay $0x2  }
0x91: {  	s15 =	simm.s32 $0xA;
	s4 =	simm.s32 $0x10  }
0x92: {  	[smem:s4], [sflag:s15] =	dma.local [hbm:s2], $0x1  }
0x93: {  	_ =	swait.eq [sflag:s15], $0x1  }
0x94: {  	[sflag:s15] =	ssyncset.done $0x0  }
0x95: {  	[sflag:s15] =	ssyncadd.s32 $0xFFFFFFFF  }
0x96: {  	s16 =	sld [smem:$0x10];
	(tm) =	ssettm $0x1  }
0x97: {  	s17 =	sld [smem:$0x3FFB];
	_ =	sdelay $0x3  }
0x98: {  	_ =	strace s17  }
0x99: {  	s3 =	sld [smem:$0x3FFC];
	_ =	sdelay $0x3  }
0x9a: {  	_ =	strace s3  }
0x9b: {  	s3 =	sld [smem:$0x3FFD];
	_ =	sdelay $0x3  }
0x9c: {  	_ =	strace s3  }
0x9d: {  	_ =	strace $0x8FFFFFFF  }
0x9e: {  	s18 =	sld [smem:$0x3FDB];
	_ =	sdelay $0x1  }
0x9f: {  	s19 =	simm.s32 $_scs_section_size  }
0xa0: {  	s5 =	simm.s32 $_size__tile_overlayer_lowered;
	s6 =	simm.s32 $_tile_overlayer_lowered  }
0xa1: {  	s22 =	simm.s32 $0x1BFF;
	s21 =	sshll.u32 s6, $0x1;
	s3 =	sadd.s32 s19, s18  }
0xa2: {  	s7 =	simm.s32 $0x0;
	s20 =	sshll.u32 s5, $0x1;
	s5 =	sadd.s32 s21, s3  }
0xa3: {  	[timem:s7], [sflag:s22] =	dma.local [hbm:s5], s20  }
0xa4: {  	_ =	swait.ge [sflag:s22], s20  }
0xa5: {  	s4 =	ssub.s32 $0x0, s20;
	[sflag:s22] =	ssyncset.done $0x0  }
0xa6: {  	[sflag:s22] =	ssyncadd.s32 s4;
	_ =	sdelay $0x1  }
0xa7: {  	s23 =	simm.s32 $0x1B8B  }
0xa8: {  	_ =	swait.ge [sflag:s23], $0x1  }
0xa9: {  	[sflag:s23] =	ssyncset.done $0x0  }
0xaa: {  	s25 =	simm.s32 $0x1B8E;
	s24 =	sld [smem:$0x3FFE];
	[sflag:s23] =	ssyncadd.s32 $0xFFFFFFFF  }
0xab: {  	s26 =	simm.s32 $execute0_lowered;
	[smem:$0x3FD2] =	sst s25  }
0xac: {  	s5 =	sshll.u32 s26, $0x1;
	_ =	strace $0x80000046;
	[dreg:$0x1] =	wrdreg $0xFFFFFFFF  }
0xad: {  	s28 =	simm.s32 $_size_execute0_lowered;
	s3 =	sadd.s32 s3, s5;
	[dreg:$0x0] =	wrdreg $0x0  }
0xae: {  	s5 =	sshll.u32 s28, $0x1;
	[dreg:$0x2] =	wrdreg s3  }
0xaf: {  	[dreg:$0x3] =	wrdreg s5  }
0xb0: {  	[dreg:$0x4] =	wrdreg $0xC0  }
0xb1: {  	_ =	task [dreg:s7], $0x5FFFF  }
0xb2: {  	[dreg:$0x1] =	wrdreg $0xFFFFFFFF  }
0xb3: {  	[dreg:$0x0] =	wrdreg $0x60  }
0xb4: {  	[dreg:$0x2] =	wrdreg s24  }
0xb5: {  	[dreg:$0x3] =	wrdreg s16  }
0xb6: {  	[dreg:$0x4] =	wrdreg $0x9  }
0xb7: {  	_ =	task.clear_ibuf [dreg:s7], $0x5FFFF;
	_ =	strace $0x90000046  }
0xb8: {  	s29 =	simm.s32 $0x9;
	_ =	strace $0x80000048  }
0xb9: {  	_ =	swait.ge [sflag:s29], $0x1  }
0xba: {  	[sflag:s29] =	ssyncadd.s32 $0xFFFFFFFF  }
0xbb: {  	_ =	strace $0x90000048  }
0xbc: {  	_ =	sfence  }
0xbd: {  	s30 =	sld [smem:$0x0];
	_ =	sdelay $0x2  }
0xbe: {  	s31 =	sshll.u32 s1, $0xD;
	s1 =	sshrl.u32 s1, $0x2  }
0xbf: {  	s3 =	sand.u32 $0x4000, s31;
	s1 =	sadd.s32 s1, s30  }
0xc0: {  	s0 =	sor.u32 s3, s0;
	s1 =	sshll.u32 s1, $0x11  }
0xc1: {  	s0 =	sor.u32 s1, s0  }
0xc2: {  	s0 =	sadd.s32 $0x8F2B, s0  }
0xc3: {  	[sflag:s0] =	ssyncadd.remote.s32 $0x1  }
0xc4: {  	_ =	sfence.sel $0xFFFF  }
0xc5: {  	[dreg:$0x0] =	wrdreg $0xFFFFFFFF;
	(pc) =	sbr.abs _section_cstart, $3  }
0xc6: {  	[dreg:$0x1] =	wrdreg $0xFFFFFFFF  }
0xc7: {  	_ =	task.clear_ibuf [dreg:s7], $0x2FFFF;
	_ =	strace $0x9FFFFFFF  }
0xc8: {  	(tm) =	ssettm $0x7FFFFFFF  }
0xc9: {  	_ =	shalt  }
tec
execute0_lowered:
.L_overlay_start_1:
0x0: {  	(tag) =	ssettag $0x1  }
0x1: {  	s1 =	srdreg.scid  }
0x2: {  	s0 =	stileid.u32;
	s6 =	sand.u32 $0x1, s1  }
0x3: {  	s5 =	rddreg [dreg:$0x0];
	s30 =	sshll.u32 s0, $0xA;
	s2 =	sshll.u32 s6, $0x9  }
0x4: {  	s8 =	rddreg [dreg:$0x1];
	s9 =	sor.u32 s2, s30  }
0x5: {  	s1 =	rddreg [dreg:$0x2];
	s2 =	simm.s32 $0x0;
	s3 =	sshrl.u32 s9, $0x3  }
0x6: {  	s10 =	ssub.s32 $0x2, s6;
	[smem:$0x7FF] =	sst s2;
	s3 =	sadd.s32 s3, s5  }
0x7: {  	_ =	strace $0x80000047;
	s4 =	sadd.s32 $0x8800, s3;
	s3 =	simm.s32 $0x2  }
0x8: {  	[tilespmem:s2], [sflag:$0x2] =	stream.linear.gather [hbm4b:s4+s2], $0x200, $0x38;
	[tilespmem:$0x4200] =	vst v63  }
0x9: {  	s7 =	simm.s32 $0x1;
	s11 =	sshrl.u32 s10, $0x1;
	_ =	swait.ge [sflag:s3], $0x200  }
0xa: {  	s6 =	simm.s32 $0x200;
	s10 =	ssub.s32 s10, s11;
	[sflag:s3] =	ssyncset.done $0x0  }
0xb: {  	s5 =	sadd.s32 $0x800, s5;
	s31 =	smax.u32 s10, $0x1;
	[sflag:s3] =	ssyncadd.s32 $0xFFFFFE00  }
0xc: {  	[tilespmem:s6], [sflag:$0x1] =	stream.indirect.gather [hbm4b:s5+s6], $0x20, s2, s6, $0xb8;
	[tilespmem:$0x4200] =	vst v63  }
0xd: {  	p0 =	sne.s32 s31, $0x1;
	_ =	swait.ge [sflag:s7], $0x4000  }
.Ltmp0:
0xe: {  	s9 =	sshll.u32 s9, $0x2;
	[sflag:s7] =	ssyncset.done $0x0;
	(pc) =	sbr.rel @!p0 .LBB2_2-.Ltmp0, $4  }
0xf: {  	s8 =	sadd.s32 s8, s9;
	[sflag:s7] =	ssyncadd.s32 $0xFFFFC000  }
0x10: {  	[hbm4b:s8+s2] =	stream.linear.scatter [tilespmem:s6], [sflag:$0x2], $0x4000, $0x38;
	[tilespmem:$0x4200] =	vst v63  }
0x11: {  	_ =	swait.ge [sflag:s3], $0x4000  }
0x12: {  	s9 =	sadd.s32 $0xFFFFFFFF, s31;
	[sflag:s3] =	ssyncset.done $0x0  }
.LBB2_1:
0x13: {  	p0 =	sne.s32 s9, $0x1;
	s9 =	sadd.s32 $0xFFFFFFFF, s9;
	[sflag:s3] =	ssyncadd.s32 $0xFFFFC000  }
0x14: {  	[tilespmem:s2], [sflag:$0x2] =	stream.linear.gather [hbm4b:s4+s2], $0x200, $0x38;
	[tilespmem:$0x4200] =	vst v63  }
0x15: {  	_ =	swait.ge [sflag:s3], $0x200  }
0x16: {  	[sflag:s3] =	ssyncset.done $0x0  }
0x17: {  	[sflag:s3] =	ssyncadd.s32 $0xFFFFFE00  }
0x18: {  	[tilespmem:s6], [sflag:$0x1] =	stream.indirect.gather [hbm4b:s5+s6], $0x20, s2, s6, $0xb8;
	[tilespmem:$0x4200] =	vst v63  }
0x19: {  	_ =	swait.ge [sflag:s7], $0x4000  }
.Ltmp1:
0x1a: {  	[sflag:s7] =	ssyncset.done $0x0;
	(pc) =	sbr.rel @p0 .LBB2_1-.Ltmp1, $4  }
0x1b: {  	[sflag:s7] =	ssyncadd.s32 $0xFFFFC000  }
0x1c: {  	[hbm4b:s8+s2] =	stream.linear.scatter [tilespmem:s6], [sflag:$0x2], $0x4000, $0x38;
	[tilespmem:$0x4200] =	vst v63  }
0x1d: {  	_ =	swait.ge [sflag:s3], $0x4000  }
0x1e: {  	[sflag:s3] =	ssyncset.done $0x0  }
.LBB2_2:
0x1f: {  	[sflag:s3] =	ssyncadd.s32 $0xFFFFC000  }
0x20: {  	_ =	sfence.sel $0x180000  }
0x21: {  	[bflag:$0x0] =	sbarrier.arrive $0xFFFF  }
0x22: {  	p0 =	sne.s32 s0, $0x0;
	_ =	strace $0x90000047  }
0x23: {  	s0 =	sadd.s32 @!p0 $0x100000, s1;
	[bflag:$0x2] =	sbarrier.arrive $0xFFFF  }
0x24: {  	[sflag:s0] =	ssyncadd.tile.s32 @!p0 $0x1;
	_ =	shalt  }
.Lfunc_end2:
_tile_overlayer_lowered:
.L_overlay_start_2:
0x25: {  	(tag) =	ssettag $0x2  }
0x26: {  	s0 =	rddreg [dreg:$0x0];
	s2 =	stileid.u32  }
0x27: {  	s1 =	rddreg [dreg:$0x1];
	p0 =	sne.s32 s2, $0x0  }
0x28: {  	s3 =	rddreg [dreg:$0x2];
	[bflag:$0x3] =	sbarrier.arrive $0xFFFF;
	s2 =	simm.s32 @!p0 $0x1C02  }
0x29: {  	[timem:s3], [sflag:s2] =	dma.local @!p0 [hbm:s0], s1  }
0x2a: {  	s0 =	simm.s32 @!p0 $0x2  }
0x2b: {  	_ =	swait.ge @!p0 [sflag:s0], s1  }
0x2c: {  	s1 =	ssub.s32 @!p0 $0x0, s1;
	[sflag:s0] =	ssyncset.done @!p0 $0x0  }
0x2d: {  	[sflag:s0] =	ssyncadd.s32 @!p0 s1  }
0x2e: {  	[bflag:$0x3] =	sbarrier.arrive $0xFFFF  }
0x2f: {  	_ =	shalt  }

</sc_bundles>
